<compile_context>
chip_gen: v7x
topology: tpu7x:2x2x1
jax: 0.10.2.dev20260603
libtpu: 0.0.44.dev20260713+nightly
codegen_flags: <defaults>
</compile_context>

<pallas_src>
import jax
import jax.numpy as jnp
from jax import lax
from jax.experimental import pallas as pl

NUM_TOKENS = 8192
CODE_DIM = 256
FEAT_DIM = 192
COMMITMENT = 0.25
N_FLAT = 8 * 56 * 56


def _conv(x, w, b, stride):
    y = lax.conv_general_dilated(x, w, (stride, stride), 'SAME',
                                 dimension_numbers=('NCHW', 'OIHW', 'NCHW'))
    return y + b[None, :, None, None]


def _conv_t(x, w, b, stride):
    y = lax.conv_transpose(x, w, (stride, stride), 'SAME',
                           dimension_numbers=('NCHW', 'OIHW', 'NCHW'))
    return y + b[None, :, None, None]



def _proj_body(tok_ref, wout_ref, b_ref, out_ref):
    out_ref[...] = lax.dot_general(tok_ref[...], wout_ref[...],
                                   (((1,), (1,)), ((), ())),
                                   preferred_element_type=jnp.float32
                                   ) + b_ref[...]


def _proj_out_mm(tokens_flat, wout2d, b2d):
    return pl.pallas_call(
        _proj_body,
        grid=(N_FLAT // 3136,),
        in_specs=[pl.BlockSpec((3136, CODE_DIM), lambda i: (i, 0)),
                  pl.BlockSpec((FEAT_DIM, CODE_DIM), lambda i: (0, 0)),
                  pl.BlockSpec((1, FEAT_DIM), lambda i: (0, 0))],
        out_specs=pl.BlockSpec((3136, FEAT_DIM), lambda i: (i, 0)),
        out_shape=jax.ShapeDtypeStruct((N_FLAT, FEAT_DIM), jnp.float32),
    )(tokens_flat, wout2d, b2d)



def kernel(images, enc_w1, enc_b1, enc_w2, enc_b2, proj_in_w, proj_in_b,
           proj_out_w, proj_out_b, dec_w1, dec_b1, dec_w2, dec_b2, codebook):
    features = jax.nn.relu(_conv(images, enc_w1, enc_b1, 2))
    features = jax.nn.relu(_conv(features, enc_w2, enc_b2, 2))

    x = _conv(features, proj_in_w, proj_in_b, 1)
    inputs_nhwc = jnp.transpose(x, (0, 2, 3, 1))
    flat = inputs_nhwc.reshape(-1, CODE_DIM)
    distances = (jnp.sum(flat ** 2, axis=1, keepdims=True)
                 + jnp.sum(codebook ** 2, axis=1)
                 - 2.0 * jnp.matmul(flat, codebook.T))
    labels = jnp.argmin(distances, axis=1)

    encodings = jax.nn.one_hot(labels, NUM_TOKENS, dtype=flat.dtype)
    quantized = jnp.matmul(encodings, codebook).reshape(inputs_nhwc.shape)
    counts = jnp.bincount(labels, length=NUM_TOKENS)
    quantized = inputs_nhwc + lax.stop_gradient(quantized - inputs_nhwc)
    tokens_flat = quantized.reshape(-1, CODE_DIM)

    proj_flat = _proj_out_mm(tokens_flat,
                             proj_out_w.reshape(FEAT_DIM, CODE_DIM),
                             proj_out_b.reshape(1, FEAT_DIM))
    projected_tokens = jnp.transpose(
        proj_flat.reshape(8, 56, 56, FEAT_DIM), (0, 3, 1, 2))

    recon = jax.nn.relu(_conv_t(projected_tokens, dec_w1, dec_b1, 2))
    reconstructions = _conv_t(recon, dec_w2, dec_b2, 2)

    recon_loss = jnp.mean((images - reconstructions) ** 2)
    latent = jnp.mean((projected_tokens - features) ** 2)
    loss = latent + COMMITMENT * latent + recon_loss
    return projected_tokens, labels, loss, reconstructions, counts

# --- scband reference (transcript-rebuilt; emitter-appended) ---
"""Pipeline reference for scband-vqvae-7971459301761 (READ-ONLY COPY).

The authoritative reference and input builder live on the scoring server;
editing this copy changes nothing except your own understanding.
"""

import jax, jax.numpy as jnp
import numpy as np

NUM_TOKENS = 8192
CODE_DIM = 256
COMMITMENT = 0.25

def _conv(x, w, b, stride):
    y = jax.lax.conv_general_dilated(x, w, (stride, stride), 'SAME',
                                     dimension_numbers=('NCHW', 'OIHW', 'NCHW'))
    return y + b[None, :, None, None]

def _conv_t(x, w, b, stride):
    y = jax.lax.conv_transpose(x, w, (stride, stride), 'SAME',
                               dimension_numbers=('NCHW', 'OIHW', 'NCHW'))
    return y + b[None, :, None, None]

def setup_inputs(seed=0) -> dict:
    key = jax.random.key(seed)
    ks = jax.random.split(key, 16)
    def nrm(k, shape, scale=0.05):
        return jax.random.normal(k, shape, dtype=jnp.float32) * scale
    return {
        'images': jax.random.normal(ks[0], (8, 3, 224, 224), dtype=jnp.float32),
        'enc_w1': nrm(ks[1], (96, 3, 4, 4)),
        'enc_b1': jnp.zeros((96,), jnp.float32),
        'enc_w2': nrm(ks[2], (192, 96, 4, 4)),
        'enc_b2': jnp.zeros((192,), jnp.float32),
        'proj_in_w': nrm(ks[3], (256, 192, 1, 1)),
        'proj_in_b': jnp.zeros((256,), jnp.float32),
        'proj_out_w': nrm(ks[4], (192, 256, 1, 1)),
        'proj_out_b': jnp.zeros((192,), jnp.float32),
        'dec_w1': nrm(ks[5], (96, 192, 4, 4)),
        'dec_b1': jnp.zeros((96,), jnp.float32),
        'dec_w2': nrm(ks[6], (3, 96, 4, 4)),
        'dec_b2': jnp.zeros((3,), jnp.float32),
        'codebook': jax.random.uniform(ks[7], (NUM_TOKENS, CODE_DIM), jnp.float32,
                                       -1.0 / NUM_TOKENS, 1.0 / NUM_TOKENS),
    }

def reference(images, enc_w1, enc_b1, enc_w2, enc_b2, proj_in_w, proj_in_b,
              proj_out_w, proj_out_b, dec_w1, dec_b1, dec_w2, dec_b2, codebook):
    # encoder
    features = jax.nn.relu(_conv(images, enc_w1, enc_b1, 2))
    features = jax.nn.relu(_conv(features, enc_w2, enc_b2, 2))
    # encoder projection to codebook dim
    x = _conv(features, proj_in_w, proj_in_b, 1)
    # VectorQuantizer.forward (decay=0.0, eval/inference path)
    inputs_nhwc = jnp.transpose(x, (0, 2, 3, 1))
    flat = inputs_nhwc.reshape(-1, CODE_DIM)
    distances = (jnp.sum(flat ** 2, axis=1, keepdims=True)
                 + jnp.sum(codebook ** 2, axis=1)
                 - 2.0 * jnp.matmul(flat, codebook.T))
    labels = jnp.argmin(distances, axis=1)
    encodings = jax.nn.one_hot(labels, NUM_TOKENS, dtype=flat.dtype)
    quantized = jnp.matmul(encodings, codebook).reshape(inputs_nhwc.shape)
    # straight-through estimator
    quantized = inputs_nhwc + jax.lax.stop_gradient(quantized - inputs_nhwc)
    tokens_nchw = jnp.transpose(quantized, (0, 3, 1, 2))
    # decoder projection
    projected_tokens = _conv(tokens_nchw, proj_out_w, proj_out_b, 1)
    # decoder
    recon = jax.nn.relu(_conv_t(projected_tokens, dec_w1, dec_b1, 2))
    reconstructions = _conv_t(recon, dec_w2, dec_b2, 2)
    # losses (decay=0.0 -> q_latent_loss active)
    recon_loss = jnp.mean((images - reconstructions) ** 2)
    q_latent_loss = jnp.mean((projected_tokens - jax.lax.stop_gradient(features)) ** 2)
    e_latent_loss = jnp.mean((jax.lax.stop_gradient(projected_tokens) - features) ** 2)
    loss = q_latent_loss + COMMITMENT * e_latent_loss + recon_loss
    counts = jnp.bincount(labels, length=NUM_TOKENS)
    return projected_tokens, labels, loss, reconstructions, counts

if __name__ == "__main__":
    import jax
    _d = setup_inputs()
    print(jax.jit(kernel)(*tuple(_d.values())))

</pallas_src>

<mosaic_0001>
module attributes {stable_mosaic.version = 14 : i64} {
  func.func @_proj_body(%arg0: i32, %arg1: memref<3136x256xf32, #tpu.memory_space<vmem>>, %arg2: memref<192x256xf32, #tpu.memory_space<vmem>>, %arg3: memref<1x192xf32, #tpu.memory_space<vmem>>, %arg4: memref<3136x192xf32, #tpu.memory_space<vmem>>) attributes {dimension_semantics = [#tpu.dimension_semantics<arbitrary>], iteration_bounds = array<i64: 8>, scalar_prefetch = 0 : i64, scratch_operands = 0 : i64, tpu.core_type = #tpu.core_type<tc>, window_params = [{transform_indices = @transform_0, window_bounds = array<i64: 3136, 256>}, {pipeline_mode = #tpu.pipeline_mode<synchronous>, transform_indices = @transform_1, window_bounds = array<i64: 192, 256>}, {pipeline_mode = #tpu.pipeline_mode<synchronous>, transform_indices = @transform_2, window_bounds = array<i64: 1, 192>}, {transform_indices = @transform_3, window_bounds = array<i64: 3136, 192>}]} {
    %get3A = arith.constant 0 : index
    %get3A_0 = arith.constant 0 : index
    %get3A_1 = vector.load %arg1[%get3A, %get3A_0] : memref<3136x256xf32, #tpu.memory_space<vmem>>, vector<3136x256xf32>
    %get3A_2 = arith.constant 0 : index
    %get3A_3 = arith.constant 0 : index
    %get3A_4 = vector.load %arg2[%get3A_2, %get3A_3] : memref<192x256xf32, #tpu.memory_space<vmem>>, vector<192x256xf32>
    %dot_general3A = arith.constant dense<0.000000e+00> : vector<3136x192xf32>
    %dot_general3A_5 = tpu.matmul %get3A_1, %get3A_4, %dot_general3A {dimension_numbers = #tpu.dot_dimension_numbers<[1], [1], [0], [0], [0, 0, 1, 0], [], []>, transpose_lhs_hint = false} : vector<3136x256xf32>, vector<192x256xf32>, vector<3136x192xf32> -> vector<3136x192xf32>
    %get3A_6 = arith.constant 0 : index
    %get3A_7 = arith.constant 0 : index
    %get3A_8 = vector.load %arg3[%get3A_6, %get3A_7] : memref<1x192xf32, #tpu.memory_space<vmem>>, vector<1x192xf32>
    %add3A = vector.broadcast %get3A_8 : vector<1x192xf32> to vector<3136x192xf32>
    %add3A_9 = arith.addf %dot_general3A_5, %add3A : vector<3136x192xf32>
    %swap3A = arith.constant 0 : index
    %swap3A_10 = arith.constant 0 : index
    %swap3A_11 = vector.load %arg4[%swap3A, %swap3A_10] : memref<3136x192xf32, #tpu.memory_space<vmem>>, vector<3136x192xf32>
    tpu.vector_store %arg4[%swap3A, %swap3A_10], %add3A_9 {strides = array<i32>} : memref<3136x192xf32, #tpu.memory_space<vmem>>, vector<3136x192xf32>,
    return
  }
  func.func @transform_0(%arg0: i32) -> (i32, i32) {
    %c0_i32 = arith.constant 0 : i32
    %c0_i32_0 = arith.constant 0 : i32
    return %arg0, %c0_i32 : i32, i32
  }
  func.func @transform_1(%arg0: i32) -> (i32, i32) {
    %c0_i32 = arith.constant 0 : i32
    %c0_i32_0 = arith.constant 0 : i32
    %c0_i32_1 = arith.constant 0 : i32
    return %c0_i32, %c0_i32_0 : i32, i32
  }
  func.func @transform_2(%arg0: i32) -> (i32, i32) {
    %c0_i32 = arith.constant 0 : i32
    %c0_i32_0 = arith.constant 0 : i32
    %c0_i32_1 = arith.constant 0 : i32
    return %c0_i32, %c0_i32_0 : i32, i32
  }
  func.func @transform_3(%arg0: i32) -> (i32, i32) {
    %c0_i32 = arith.constant 0 : i32
    %c0_i32_0 = arith.constant 0 : i32
    return %arg0, %c0_i32 : i32, i32
  }
}

</mosaic_0001>

<sc_bundles>
// kernel: scatter_offload_async_start
scs
__scs_entry_jumppad:
0x0: {  	(pc) =	sbr.rel $0x88, $3  }
0x1: {  	(tag) =	ssettag $0x0;
	lr =	simm.s32 $0x1  }
0x2: {  	[smem:$0x3F93] =	sst lr;
	_ =	strace $0xD0000000  }
0x3: {  	_ = 	snop  }
0x4: {  	_ = 	snop  }
0x5: {  	_ = 	snop  }
0x6: {  	_ = 	snop  }
0x7: {  	_ = 	snop  }
__scs_overlays_trampoline_lowered:
0x8: {  	[smem:$0x3FA2] =	sst s0  }
0x9: {  	[smem:$0x3FA3] =	sst s1  }
0xa: {  	[smem:$0x3FA4] =	sst s2  }
0xb: {  	[smem:$0x3FA5] =	sst s3  }
0xc: {  	[smem:$0x3FA6] =	sst s4  }
0xd: {  	[smem:$0x3FA7] =	sst s5  }
0xe: {  	[smem:$0x3FA8] =	sst s6  }
0xf: {  	[smem:$0x3FA9] =	sst s7  }
0x10: {  	[smem:$0x3FAA] =	sst s8  }
0x11: {  	[smem:$0x3FAB] =	sst s9;
	s0 =	simm.s32 @!p0 $0x0  }
0x12: {  	s1 =	sld [smem:$0x3F91];
	s0 =	simm.s32 @p0 $0x1  }
0x13: {  	[smem:$0x3FAC] =	sst s0;
	s0 =	simm.s32 @!p1 $0x0  }
0x14: {  	s2 =	sld [smem:$0x3F90];
	s0 =	simm.s32 @p1 $0x1  }
0x15: {  	[smem:$0x3FAD] =	sst s0;
	s0 =	simm.s32 @!p2 $0x0  }
0x16: {  	s3 =	sld [smem:$0x3FDB];
	s0 =	simm.s32 @p2 $0x1  }
0x17: {  	s4 =	simm.s32 $0x1BF5;
	[smem:$0x3FAF] =	sst s0  }
0x18: {  	s0 =	sld [smem:$0x3F92];
	_ =	swait.ge [sflag:s4], $0x0  }
0x19: {  	s7 =	sld [smem:$0x3F93]  }
0x1a: {  	s8 =	sadd.s32 $0xFFFFE003, lr  }
0x1b: {  	s9 =	sadd.s32 $0xFFFFFEF7, lr;
	s5 =	simm.s32 $0xFFFFFFFF;
	p2 =	slt.u32 s8, $0xFFFFF086  }
0x1c: {  	p1 =	slt.u32 s9, $0xF7A;
	s5 =	simm.s32 @!p2 $0x0  }
0x1d: {  	s5 =	simm.s32 @p1 $0x1;
	p0 =	seq.s32 s7, s2  }
0x1e: {  	s7 =	smul.u32 @!p0 $0xF7A, s2;
	p2 =	seq.s32 @!p0 s5, $0x0  }
0x1f: {  	s9 =	smul.u32 $0xF7A, s1;
	s8 =	simm.s32 @!p0 $0x1BF5;
	p2 =	por !p2, p0  }
0x20: {  	[sflag:s8] =	ssyncset.s32 @!p0 $0xFFFFF086;
	s6 =	sadd.s32 @!p0 s3, s7;
	s7 =	simm.s32 @!p0 $0x108  }
0x21: {  	s3 =	sadd.s32 s3, s9;
	s6 =	sadd.s32 @!p0 $0x88, s6;
	s7 =	simm.s32 @p2 $0x1082  }
0x22: {  	[simem:s7], [sflag:s8] =	dma.local @!p0 [hbm:s6], $0xF7A  }
0x23: {  	s9 =	sor.u32 $0xD0000000, s2;
	s6 =	simm.s32 $0x108;
	_ =	swait.ge @!p0 [sflag:s8], $0x0  }
0x24: {  	s3 =	sadd.s32 $0x88, s3;
	s6 =	simm.s32 @!p1 $0x1082;
	[sflag:s4] =	ssyncset.s32 $0xFFFFF086  }
0x25: {  	[simem:s6], [sflag:s4] =	dma.local [hbm:s3], $0xF7A  }
0x26: {  	[smem:$0x3F93] =	sst s1;
	(tag) =	ssettag s2;
	_ =	strace s9  }
0x27: {  	s1 =	sld [smem:$0x3FA3]  }
0x28: {  	s2 =	sld [smem:$0x3FA4]  }
0x29: {  	s4 =	sld [smem:$0x3FA6]  }
0x2a: {  	p0 =	seq.s32 s5, $0x0;
	s5 =	sld [smem:$0x3FA7]  }
0x2b: {  	s6 =	sld [smem:$0x3FA8]  }
0x2c: {  	s7 =	sld [smem:$0x3FA9]  }
0x2d: {  	s3 =	simm.s32 $0x108;
	s8 =	sld [smem:$0x3FAA]  }
0x2e: {  	s3 =	simm.s32 @!p0 $0x1082;
	s9 =	sld [smem:$0x3FAB]  }
0x2f: {  	lr =	sadd.s32 s0, s3;
	s0 =	sld [smem:$0x3FA2]  }
0x30: {  	s3 =	sld [smem:$0x3FA5]  }
0x31: {  	[smem:$0x3FAE] =	sst s10  }
0x32: {  	s10 =	sld [smem:$0x3FAC];
	_ =	sdelay $0x3  }
0x33: {  	p0 =	seq.s32 s10, $0x1;
	s10 =	sld [smem:$0x3FAE];
	_ =	sdelay $0x3  }
0x34: {  	[smem:$0x3FAE] =	sst s10  }
0x35: {  	s10 =	sld [smem:$0x3FAD];
	_ =	sdelay $0x3  }
0x36: {  	p1 =	seq.s32 s10, $0x1;
	s10 =	sld [smem:$0x3FAE];
	_ =	sdelay $0x3  }
0x37: {  	[smem:$0x3FAE] =	sst s10  }
0x38: {  	s10 =	sld [smem:$0x3FAF]  }
0x39: {  	_ = 	snop;
	(pc) =	sbr.ind lr, $3  }
0x3a: {  	_ = 	snop  }
0x3b: {  	_ = 	snop  }
0x3c: {  	p2 =	seq.s32 s10, $0x1;
	s10 =	sld [smem:$0x3FAE]  }
0x3d: {  	_ =	shalt  }
0x3e: {  	_ =	shalt  }
0x3f: {  	_ =	shalt  }
0x40: {  	_ =	shalt  }
0x41: {  	_ =	shalt  }
0x42: {  	_ =	shalt  }
0x43: {  	_ =	shalt  }
0x44: {  	_ =	shalt  }
0x45: {  	_ =	shalt  }
0x46: {  	_ =	shalt  }
0x47: {  	_ =	shalt  }
0x48: {  	_ =	shalt  }
0x49: {  	_ =	shalt  }
0x4a: {  	_ =	shalt  }
0x4b: {  	_ =	shalt  }
0x4c: {  	_ =	shalt  }
0x4d: {  	_ =	shalt  }
0x4e: {  	_ =	shalt  }
0x4f: {  	_ =	shalt  }
0x50: {  	_ =	shalt  }
0x51: {  	_ =	shalt  }
0x52: {  	_ =	shalt  }
0x53: {  	_ =	shalt  }
0x54: {  	_ =	shalt  }
0x55: {  	_ =	shalt  }
0x56: {  	_ =	shalt  }
0x57: {  	_ =	shalt  }
0x58: {  	_ =	shalt  }
0x59: {  	_ =	shalt  }
0x5a: {  	_ =	shalt  }
0x5b: {  	_ =	shalt  }
0x5c: {  	_ =	shalt  }
0x5d: {  	_ =	shalt  }
0x5e: {  	_ =	shalt  }
0x5f: {  	_ =	shalt  }
0x60: {  	_ =	shalt  }
0x61: {  	_ =	shalt  }
0x62: {  	_ =	shalt  }
0x63: {  	_ =	shalt  }
0x64: {  	_ =	shalt  }
0x65: {  	_ =	shalt  }
0x66: {  	_ =	shalt  }
0x67: {  	_ =	shalt  }
0x68: {  	_ =	shalt  }
0x69: {  	_ =	shalt  }
0x6a: {  	_ =	shalt  }
0x6b: {  	_ =	shalt  }
0x6c: {  	_ =	shalt  }
0x6d: {  	_ =	shalt  }
0x6e: {  	_ =	shalt  }
0x6f: {  	_ =	shalt  }
0x70: {  	_ =	shalt  }
0x71: {  	_ =	shalt  }
0x72: {  	_ =	shalt  }
0x73: {  	_ =	shalt  }
0x74: {  	_ =	shalt  }
0x75: {  	_ =	shalt  }
0x76: {  	_ =	shalt  }
0x77: {  	_ =	shalt  }
0x78: {  	_ =	shalt  }
0x79: {  	_ =	shalt  }
0x7a: {  	_ =	shalt  }
0x7b: {  	_ =	shalt  }
0x7c: {  	_ =	shalt  }
0x7d: {  	_ =	shalt  }
0x7e: {  	_ =	shalt  }
0x7f: {  	_ =	shalt  }
0x80: {  	_ =	shalt  }
0x81: {  	_ =	shalt  }
0x82: {  	_ =	shalt  }
0x83: {  	_ =	shalt  }
0x84: {  	_ =	shalt  }
0x85: {  	_ =	shalt  }
0x86: {  	_ =	shalt  }
0x87: {  	_ =	shalt  }
.Lfunc_end0:
.L_simem_size_0:
called_computation_lowered:
.L_overlay_start_0:
0x88: {  	s0 =	sld [smem:$0x3FD9]  }
0x89: {  	s1 =	sld [smem:$0x3FFE];
	_ =	sdelay $0x3  }
0x8a: {  	s0 =	sadd.s32 s1, s0  }
0x8b: {  	[smem:$0x3FBA] =	sst s0  }
0x8c: {  	_ = 	snop  }
0x8d: {  	s0 =	sld [smem:$0x3FD0];
	_ =	sdelay $0x2  }
0x8e: {  	s13 =	simm.s32 $0xA;
	s2 =	simm.s32 $0x10  }
0x8f: {  	[smem:s2], [sflag:s13] =	dma.local [hbm:s0], $0x1  }
0x90: {  	_ =	swait.eq [sflag:s13], $0x1  }
0x91: {  	[sflag:s13] =	ssyncset.done $0x0  }
0x92: {  	[sflag:s13] =	ssyncadd.s32 $0xFFFFFFFF  }
0x93: {  	s14 =	sld [smem:$0x14];
	(tm) =	ssettm $0x1  }
0x94: {  	s15 =	sld [smem:$0x3FFB];
	_ =	sdelay $0x3  }
0x95: {  	_ =	strace s15  }
0x96: {  	s1 =	sld [smem:$0x3FFC];
	_ =	sdelay $0x3  }
0x97: {  	_ =	strace s1  }
0x98: {  	s1 =	sld [smem:$0x3FFD];
	_ =	sdelay $0x3  }
0x99: {  	_ =	strace s1  }
0x9a: {  	_ =	strace $0x8FFFFFFF  }
0x9b: {  	s16 =	sld [smem:$0x3FDB];
	_ =	sdelay $0x1  }
0x9c: {  	s17 =	simm.s32 $_scs_section_size  }
0x9d: {  	s3 =	simm.s32 $_size__tile_overlayer_lowered;
	s4 =	simm.s32 $_tile_overlayer_lowered  }
0x9e: {  	s20 =	simm.s32 $0x1BFF;
	s19 =	sshll.u32 s4, $0x1;
	s1 =	sadd.s32 s17, s16  }
0x9f: {  	s5 =	simm.s32 $0x0;
	s18 =	sshll.u32 s3, $0x1;
	s3 =	sadd.s32 s19, s1  }
0xa0: {  	[timem:s5], [sflag:s20] =	dma.local [hbm:s3], s18  }
0xa1: {  	_ =	swait.ge [sflag:s20], s18  }
0xa2: {  	s2 =	ssub.s32 $0x0, s18;
	[sflag:s20] =	ssyncset.done $0x0  }
0xa3: {  	[sflag:s20] =	ssyncadd.s32 s2;
	_ =	sdelay $0x1  }
0xa4: {  	s21 =	simm.s32 $0x1B8B  }
0xa5: {  	_ =	swait.ge [sflag:s21], $0x1  }
0xa6: {  	[sflag:s21] =	ssyncset.done $0x0  }
0xa7: {  	s23 =	simm.s32 $0x1B8E;
	s22 =	sld [smem:$0x3FFE];
	[sflag:s21] =	ssyncadd.s32 $0xFFFFFFFF  }
0xa8: {  	s24 =	simm.s32 $execute0_lowered;
	[smem:$0x3FD2] =	sst s23  }
0xa9: {  	s3 =	sshll.u32 s24, $0x1;
	_ =	strace $0x80000046;
	[dreg:$0x1] =	wrdreg $0xFFFFFFFF  }
0xaa: {  	s25 =	simm.s32 $_size_execute0_lowered;
	s1 =	sadd.s32 s1, s3;
	[dreg:$0x0] =	wrdreg $0x0  }
0xab: {  	s3 =	sshll.u32 s25, $0x1;
	[dreg:$0x2] =	wrdreg s1  }
0xac: {  	[dreg:$0x3] =	wrdreg s3  }
0xad: {  	[dreg:$0x4] =	wrdreg $0xC0  }
0xae: {  	_ =	task [dreg:s5], $0x5FFFF  }
0xaf: {  	[dreg:$0x1] =	wrdreg $0xFFFFFFFF  }
0xb0: {  	[dreg:$0x0] =	wrdreg $0x60  }
0xb1: {  	[dreg:$0x2] =	wrdreg s14  }
0xb2: {  	[dreg:$0x3] =	wrdreg s22  }
0xb3: {  	[dreg:$0x4] =	wrdreg $0x9  }
0xb4: {  	_ =	task.clear_ibuf [dreg:s5], $0x5FFFF;
	_ =	strace $0x90000046  }
0xb5: {  	s26 =	simm.s32 $0x9;
	_ =	strace $0x80000048  }
0xb6: {  	_ =	swait.ge [sflag:s26], $0x1  }
0xb7: {  	[sflag:s26] =	ssyncadd.s32 $0xFFFFFFFF  }
0xb8: {  	_ =	strace $0x90000048  }
0xb9: {  	_ =	sfence  }
0xba: {  	s28 =	sld [smem:$0x0];
	_ =	sdelay $0x1  }
0xbb: {  	s29 =	srdreg.scid  }
0xbc: {  	s30 =	sshll.u32 s29, $0xD;
	s31 =	sshrl.u32 s29, $0x2  }
0xbd: {  	s2 =	sand.u32 $0x4000, s30;
	s1 =	sand.u32 $0x1, s29;
	s0 =	sadd.s32 s31, s28  }
0xbe: {  	s1 =	sor.u32 s2, s1;
	s0 =	sshll.u32 s0, $0x11  }
0xbf: {  	s0 =	sor.u32 s0, s1  }
0xc0: {  	s0 =	sadd.s32 $0x8F2B, s0  }
0xc1: {  	[sflag:s0] =	ssyncadd.remote.s32 $0x1  }
0xc2: {  	_ =	sfence.sel $0xFFFF  }
0xc3: {  	[dreg:$0x0] =	wrdreg $0xFFFFFFFF;
	(pc) =	sbr.abs _section_cstart, $3  }
0xc4: {  	[dreg:$0x1] =	wrdreg $0xFFFFFFFF  }
0xc5: {  	_ =	task.clear_ibuf [dreg:s5], $0x2FFFF;
	_ =	strace $0x9FFFFFFF  }
0xc6: {  	(tm) =	ssettm $0x7FFFFFFF  }
0xc7: {  	_ =	shalt  }
tec
execute0_lowered:
.L_overlay_start_1:
0x0: {  	(tag) =	ssettag $0x1  }
0x1: {  	s1 =	rddreg [dreg:$0x0]  }
0x2: {  	s2 =	rddreg [dreg:$0x1]  }
0x3: {  	s0 =	rddreg [dreg:$0x2];
	s3 =	stileid.u32  }
0x4: {  	_ =	strace $0x80000047;
	s4 =	simm.s32 $0x3E;
	p0 =	sne.s32 s3, $0x0  }
0x5: {  	[sflag:s4] =	ssyncpa.u1 $0x0;
	s5 =	simm.s32 @!p0 $0x1C3E;
	s6 =	simm.s32 @!p0 $0x0  }
0x6: {  	[spmem:s6], [sflag:s5] =	dma.local @!p0 [hbm:s1], $0x400  }
0x7: {  	s5 =	simm.s32 @!p0 $0x3E  }
0x8: {  	_ =	swait.ge @!p0 [sflag:s5], $0x400  }
0x9: {  	[sflag:s5] =	ssyncset.done @!p0 $0x0  }
0xa: {  	s26 =	simm.s32 $0x1;
	[sflag:s5] =	ssyncadd.s32 @!p0 $0xFFFFFC00  }
0xb: {  	s28 =	simm.s32 $0x2;
	s7 =	simm.s32 $0x820;
	[bflag:$0x0] =	sbarrier.arrive $0xFFFF  }
0xc: {  	s3 =	smul.u32 $0xC4, s3;
	s29 =	sadd.s32 $0x498E00, s2;
	[sflag:s4] =	ssyncpa.u1 $0x1  }
0xd: {  	s30 =	sadd.s32 $0xE00, s2;
	s2 =	simm.s32 $0x0;
	[sflag:s26] =	ssyncpa.u1 $0x0  }
0xe: {  	s5 =	sadd.s32 s29, s3;
	(ifvalue) =	ssetifvalue $0x2000;
	[sflag:s28] =	ssyncpa.u1 $0x0  }
0xf: {  	[tilespmem:s7], [sflag:$0x2] =	stream.linear.gather [hbm4b:s5+s2], $0x620, $0x38;
	[tilespmem:$0x1A80] =	vst v63  }
0x10: {  	s31 =	sadd.s32 s30, s3;
	s3 =	simm.s32 $0x1460  }
0x11: {  	[tilespmem:s3], [sflag:$0x2] =	stream.linear.gather [hbm4b:s31+s2], $0x620, $0x38;
	[tilespmem:$0x1A80] =	vst v63  }
0x12: {  	_ =	swait.ge [sflag:s28], $0xC40  }
0x13: {  	[sflag:s28] =	ssyncset.done $0x0  }
0x14: {  	[sflag:s28] =	ssyncadd.s32 $0xFFFFF3C0  }
0x15: {  	v0 =	vld.msk [tilespmem:s7+$0x0 ss:$0x1], $0xffff;
	_ =	sdelay $0x4  }
0x16: {  	v0 =	vmin.u32 v0, $0x2000;
	_ =	sdelay $0x3  }
0x17: {  	vm0 =	vmmov $0xffff;
	s4 =	simm.s32 $0x0;
	s5 =	simm.s32 $0x830  }
0x18: {  	[spmem:s2] =	stream.indirect_vreg.scatter.add.s32 [tilespmem:s3], [sflag:$0x1], $0x1, v0, vm0, $0x4038;
	[tilespmem:$0x1A80] =	vst v63  }
.LBB2_1:
0x19: {  	v0 =	vld.msk [tilespmem:s5+$0x0 ss:$0x1], $0xffff;
	s4 =	sadd.s32 $0x10, s4  }
0x1a: {  	p1 =	slt.u32 s4, $0x610;
	_ =	sdelay $0x4  }
0x1b: {  	v0 =	vmin.u32 v0, $0x2000  }
.Ltmp0:
0x1c: {  	(pc) =	sbr.rel @p1 .LBB2_1-.Ltmp0, $3  }
0x1d: {  	_ =	sdelay $0x1  }
0x1e: {  	s5 =	sadd.s32 $0x10, s5;
	s3 =	sadd.s32 $0x10, s3  }
0x1f: {  	[spmem:s2] =	stream.indirect_vreg.scatter.add.s32 [tilespmem:s3], [sflag:$0x1], $0x1, v0, vm0, $0x4038;
	[tilespmem:$0x1A80] =	vst v63  }
0x20: {  	s2 =	simm.s32 $0x1  }
0x21: {  	_ =	swait.ge [sflag:s2], $0x620  }
0x22: {  	[sflag:s2] =	ssyncset.done $0x0  }
0x23: {  	[sflag:s2] =	ssyncadd.s32 $0xFFFFF9E0  }
0x24: {  	_ =	sfence.sel $0x180000  }
0x25: {  	s3 =	simm.s32 $0x2;
	[bflag:$0x0] =	sbarrier.arrive $0xFFFF  }
0x26: {  	[sflag:s3] =	ssyncpa.u1 $0x1  }
0x27: {  	[sflag:s2] =	ssyncpa.u1 $0x1  }
0x28: {  	_ =	sfence.stream.spmem  }
0x29: {  	s31 =	simm.s32 $0x3D;
	[bflag:$0x0] =	sbarrier.arrive $0xFFFF  }
0x2a: {  	s2 =	simm.s32 @p0 $0x3D;
	[sflag:s31] =	ssyncpa.u1 $0x0  }
0x2b: {  	[sflag:s2] =	ssyncpa.u1 @p0 $0x1  }
0x2c: {  	[bflag:$0x0] =	sbarrier.arrive @p0 $0xFFFF  }
0x2d: {  	_ =	strace @p0 $0x90000047  }
0x2e: {  	s3 =	simm.s32 @!p0 $0x1C3D;
	s2 =	simm.s32 @!p0 $0x0;
	[bflag:$0x2] =	sbarrier.arrive @p0 $0xFFFF  }
0x2f: {  	[hbm:s1], [sflag:s3] =	dma.local @!p0 [spmem:s2], $0x400  }
0x30: {  	s1 =	simm.s32 @!p0 $0x3D  }
0x31: {  	_ =	swait.ge @!p0 [sflag:s1], $0x400  }
0x32: {  	[sflag:s1] =	ssyncset.done @!p0 $0x0  }
0x33: {  	[sflag:s1] =	ssyncadd.s32 @!p0 $0xFFFFFC00  }
0x34: {  	[sflag:s1] =	ssyncpa.u1 @!p0 $0x1  }
0x35: {  	[bflag:$0x0] =	sbarrier.arrive @!p0 $0xFFFF  }
0x36: {  	_ =	strace @!p0 $0x90000047  }
0x37: {  	s0 =	sadd.s32 @!p0 $0x100000, s0;
	[bflag:$0x2] =	sbarrier.arrive @!p0 $0xFFFF  }
0x38: {  	[sflag:s0] =	ssyncadd.tile.s32 @!p0 $0x1;
	_ =	shalt  }
.Lfunc_end2:
_tile_overlayer_lowered:
.L_overlay_start_2:
0x39: {  	(tag) =	ssettag $0x2  }
0x3a: {  	s0 =	rddreg [dreg:$0x0];
	s2 =	stileid.u32  }
0x3b: {  	s1 =	rddreg [dreg:$0x1];
	p0 =	sne.s32 s2, $0x0  }
0x3c: {  	s3 =	rddreg [dreg:$0x2];
	[bflag:$0x3] =	sbarrier.arrive $0xFFFF;
	s2 =	simm.s32 @!p0 $0x1C01  }
0x3d: {  	[timem:s3], [sflag:s2] =	dma.local @!p0 [hbm:s0], s1  }
0x3e: {  	s0 =	simm.s32 @!p0 $0x1  }
0x3f: {  	_ =	swait.ge @!p0 [sflag:s0], s1  }
0x40: {  	s1 =	ssub.s32 @!p0 $0x0, s1;
	[sflag:s0] =	ssyncset.done @!p0 $0x0  }
0x41: {  	[sflag:s0] =	ssyncadd.s32 @!p0 s1  }
0x42: {  	[bflag:$0x3] =	sbarrier.arrive $0xFFFF  }
0x43: {  	_ =	shalt  }

</sc_bundles>
